<compile_context>
chip_gen: v7x
topology: tpu7x:2x2x1
jax: 0.10.2.dev20260603
libtpu: 0.0.44.dev20260713+nightly
codegen_flags: <defaults>
</compile_context>

<pallas_src>
import functools

import jax
import jax.numpy as jnp
from jax import lax
from jax.experimental import pallas as pl
from jax.experimental.pallas import tpu as pltpu
from jax.experimental.pallas import tpu_sc as plsc

_E = 320000
_NC = 1
_NS = 16
_NW = _NC * _NS
_C = _E // _NW
_L = 16

_mesh = plsc.VectorSubcoreMesh(core_axis_name="c", subcore_axis_name="s",
                               num_cores=1)


@functools.partial(
    pl.kernel,
    mesh=_mesh,
    out_type=(
        jax.ShapeDtypeStruct((2 * _E,), jnp.int32),
        jax.ShapeDtypeStruct((2 * _E,), jnp.int32),
        jax.ShapeDtypeStruct((2 * _E,), jnp.float32),
    ),
    scratch_types=[
        pltpu.VMEM((_C,), jnp.int32),
        pltpu.VMEM((_C,), jnp.int32),
        pltpu.VMEM((_C,), jnp.float32),
        pltpu.VMEM((_C,), jnp.int32),
        pltpu.VMEM((_C,), jnp.int32),
        pltpu.VMEM((_C,), jnp.float32),
        pltpu.SemaphoreType.DMA,
        pltpu.SemaphoreType.DMA,
        pltpu.SemaphoreType.DMA,
        pltpu.SemaphoreType.DMA,
        pltpu.SemaphoreType.DMA,
        pltpu.SemaphoreType.DMA,
        pltpu.SemaphoreType.DMA,
        pltpu.SemaphoreType.DMA,
        pltpu.SemaphoreType.DMA,
        pltpu.SemaphoreType.DMA,
        pltpu.SemaphoreType.DMA,
    ],
)
def _sc_concat(gen_s, gen_t, gen_w, giv_s, giv_t,
               out_s, out_t, out_w,
               b_gs, b_gt, b_gw, b_vs, b_vt, b_ones,
               s0, s1, s2, s3, s4, s5, s6, s7, s8, s9, s10):
    wid = lax.axis_index("s") * _NC + lax.axis_index("c")
    base = wid * _C
    gen = pl.ds(base, _C)
    giv = pl.ds(_E + base, _C)

    inbound = [
        pltpu.async_copy(gen_s.at[gen], b_gs, s0),
        pltpu.async_copy(gen_t.at[gen], b_gt, s1),
        pltpu.async_copy(gen_w.at[gen], b_gw, s2),
        pltpu.async_copy(giv_s.at[gen], b_vs, s3),
        pltpu.async_copy(giv_t.at[gen], b_vt, s4),
    ]

    ones16 = jnp.ones((_L,), jnp.float32)

    def _fill(i, carry):
        b_ones[pl.ds(i * _L, _L)] = ones16
        return carry

    lax.fori_loop(0, _C // _L, _fill, 0)

    ones_out = pltpu.async_copy(b_ones, out_w.at[giv], s5)

    inbound[0].wait()
    o0 = pltpu.async_copy(b_gs, out_s.at[gen], s6)
    inbound[1].wait()
    o1 = pltpu.async_copy(b_gt, out_t.at[gen], s7)
    inbound[2].wait()
    o2 = pltpu.async_copy(b_gw, out_w.at[gen], s8)
    inbound[3].wait()
    o3 = pltpu.async_copy(b_vs, out_s.at[giv], s9)
    inbound[4].wait()
    o4 = pltpu.async_copy(b_vt, out_t.at[giv], s10)

    ones_out.wait()
    o0.wait()
    o1.wait()
    o2.wait()
    o3.wait()
    o4.wait()


@jax.jit
def _run(gen_sources, gen_targets, gen_weights, given_sources,
         given_targets):
    return _sc_concat(gen_sources, gen_targets, gen_weights,
                      given_sources, given_targets)


def kernel(gen_sources, gen_targets, gen_weights, given_sources,
           given_targets, node_embeddings):
    out_s, out_t, out_w = _run(gen_sources, gen_targets, gen_weights,
                               given_sources, given_targets)
    return out_s, out_t, out_w, node_embeddings

# --- scband reference (transcript-rebuilt; emitter-appended) ---
"""Pipeline reference for scband-weighted-sum-22428319220166 (READ-ONLY COPY).

The authoritative reference and input builder live on the scoring server;
editing this copy changes nothing except your own understanding.
"""

import jax, jax.numpy as jnp
import numpy as np

N_NODES = 10000
E_GEN = 320000
E_GIVEN = 320000
D_FEAT = 128
GIVEN_ADJACENCY_WEIGHT = 1.0


def setup_inputs(seed: int = 0) -> dict:
    key = jax.random.key(seed)
    k1, k2, k3, k4, k5, k6 = jax.random.split(key, 6)
    return {
        "gen_sources": jax.random.randint(k1, (E_GEN,), 0, N_NODES, dtype=jnp.int32),
        "gen_targets": jax.random.randint(k2, (E_GEN,), 0, N_NODES, dtype=jnp.int32),
        "gen_weights": jax.random.uniform(k3, (E_GEN,), dtype=jnp.float32),
        "given_sources": jax.random.randint(k4, (E_GIVEN,), 0, N_NODES, dtype=jnp.int32),
        "given_targets": jax.random.randint(k5, (E_GIVEN,), 0, N_NODES, dtype=jnp.int32),
        "node_embeddings": jax.random.normal(k6, (N_NODES, D_FEAT), dtype=jnp.float32),
    }


def reference(gen_sources, gen_targets, gen_weights, given_sources, given_targets, node_embeddings):
    # WeightedSum.call: merge generated adjacency (sources/targets/weights) with the
    # given adjacency from graph_data, assigning given edges a constant weight.
    noisy_sources = jnp.concatenate((gen_sources, given_sources), axis=0)
    noisy_targets = jnp.concatenate((gen_targets, given_targets), axis=0)
    given_w = GIVEN_ADJACENCY_WEIGHT * jnp.ones((given_sources.shape[0],), dtype=gen_weights.dtype)
    noisy_weights = jnp.concatenate((gen_weights, given_w), axis=0)
    # Keras Dropout at inference (training=False, the default in call) is the identity.
    edge_weights = noisy_weights
    # graph_data.as_graph_tensor_given_adjacency packs (adjacency, edge_weights, node_features)
    # into a GraphTensor; we return the equivalent flat tuple.
    return noisy_sources, noisy_targets, edge_weights, node_embeddings

if __name__ == "__main__":
    import jax
    _d = setup_inputs()
    print(jax.jit(kernel)(*tuple(_d.values())))

</pallas_src>

<mosaic_0001>
#map = affine_map<(d0, d1) -> (0)>
module attributes {stable_mosaic.version = 14 : i64} {
  func.func @_sc_concat(%arg0: i32, %arg1: i32, %arg2: memref<320000xi32, #tpu.memory_space<hbm>>, %arg3: memref<320000xi32, #tpu.memory_space<hbm>>, %arg4: memref<320000xf32, #tpu.memory_space<hbm>>, %arg5: memref<320000xi32, #tpu.memory_space<hbm>>, %arg6: memref<320000xi32, #tpu.memory_space<hbm>>, %arg7: memref<640000xi32, #tpu.memory_space<hbm>>, %arg8: memref<640000xi32, #tpu.memory_space<hbm>>, %arg9: memref<640000xf32, #tpu.memory_space<hbm>>, %arg10: memref<20000xi32, #tpu.memory_space<vmem>>, %arg11: memref<20000xi32, #tpu.memory_space<vmem>>, %arg12: memref<20000xf32, #tpu.memory_space<vmem>>, %arg13: memref<20000xi32, #tpu.memory_space<vmem>>, %arg14: memref<20000xi32, #tpu.memory_space<vmem>>, %arg15: memref<20000xf32, #tpu.memory_space<vmem>>, %arg16: memref<!tpu.dma_semaphore, #tpu.memory_space<semaphore_mem>>, %arg17: memref<!tpu.dma_semaphore, #tpu.memory_space<semaphore_mem>>, %arg18: memref<!tpu.dma_semaphore, #tpu.memory_space<semaphore_mem>>, %arg19: memref<!tpu.dma_semaphore, #tpu.memory_space<semaphore_mem>>, %arg20: memref<!tpu.dma_semaphore, #tpu.memory_space<semaphore_mem>>, %arg21: memref<!tpu.dma_semaphore, #tpu.memory_space<semaphore_mem>>, %arg22: memref<!tpu.dma_semaphore, #tpu.memory_space<semaphore_mem>>, %arg23: memref<!tpu.dma_semaphore, #tpu.memory_space<semaphore_mem>>, %arg24: memref<!tpu.dma_semaphore, #tpu.memory_space<semaphore_mem>>, %arg25: memref<!tpu.dma_semaphore, #tpu.memory_space<semaphore_mem>>, %arg26: memref<!tpu.dma_semaphore, #tpu.memory_space<semaphore_mem>>) attributes {dimension_semantics = [#tpu.dimension_semantics<core_parallel>, #tpu.dimension_semantics<subcore_parallel>], iteration_bounds = array<i64: 1, 16>, scalar_prefetch = 0 : i64, scratch_operands = 17 : i64, tpu.core_type = #tpu.core_type<sc_vector_subcore>, window_params = [{transform_indices = #map}, {transform_indices = #map}, {transform_indices = #map}, {transform_indices = #map}, {transform_indices = #map}, {transform_indices = #map}, {transform_indices = #map}, {transform_indices = #map}]} {
    %mul3A = arith.constant 1 : i32
    %mul3A_0 = arith.muli %arg1, %mul3A : i32
    %add3A = arith.addi %mul3A_0, %arg0 : i32
    %mul3A_1 = arith.constant 20000 : i32
    %mul3A_2 = arith.muli %add3A, %mul3A_1 : i32
    %add3A_3 = arith.constant 320000 : i32
    %add3A_4 = arith.addi %add3A_3, %mul3A_2 : i32
    %dma_start3A = tpu.memref_slice %arg2[%mul3A_2] : memref<320000xi32, #tpu.memory_space<hbm>> -> memref<20000xi32, #tpu.memory_space<hbm>>
    %dma_start3A_5 = tpu.memref_slice %arg2[%mul3A_2] : memref<320000xi32, #tpu.memory_space<hbm>> -> memref<20000xi32, #tpu.memory_space<hbm>>
    tpu.enqueue_dma source(%dma_start3A_5 : memref<20000xi32, #tpu.memory_space<hbm>>) target(%arg10 : memref<20000xi32, #tpu.memory_space<vmem>>) target_semaphore(%arg16 : memref<!tpu.dma_semaphore, #tpu.memory_space<semaphore_mem>>)
    %dma_start3A_6 = tpu.memref_slice %arg3[%mul3A_2] : memref<320000xi32, #tpu.memory_space<hbm>> -> memref<20000xi32, #tpu.memory_space<hbm>>
    %dma_start3A_7 = tpu.memref_slice %arg3[%mul3A_2] : memref<320000xi32, #tpu.memory_space<hbm>> -> memref<20000xi32, #tpu.memory_space<hbm>>
    tpu.enqueue_dma source(%dma_start3A_7 : memref<20000xi32, #tpu.memory_space<hbm>>) target(%arg11 : memref<20000xi32, #tpu.memory_space<vmem>>) target_semaphore(%arg17 : memref<!tpu.dma_semaphore, #tpu.memory_space<semaphore_mem>>)
    %dma_start3A_8 = tpu.memref_slice %arg4[%mul3A_2] : memref<320000xf32, #tpu.memory_space<hbm>> -> memref<20000xf32, #tpu.memory_space<hbm>>
    %dma_start3A_9 = tpu.memref_slice %arg4[%mul3A_2] : memref<320000xf32, #tpu.memory_space<hbm>> -> memref<20000xf32, #tpu.memory_space<hbm>>
    tpu.enqueue_dma source(%dma_start3A_9 : memref<20000xf32, #tpu.memory_space<hbm>>) target(%arg12 : memref<20000xf32, #tpu.memory_space<vmem>>) target_semaphore(%arg18 : memref<!tpu.dma_semaphore, #tpu.memory_space<semaphore_mem>>)
    %dma_start3A_10 = tpu.memref_slice %arg5[%mul3A_2] : memref<320000xi32, #tpu.memory_space<hbm>> -> memref<20000xi32, #tpu.memory_space<hbm>>
    %dma_start3A_11 = tpu.memref_slice %arg5[%mul3A_2] : memref<320000xi32, #tpu.memory_space<hbm>> -> memref<20000xi32, #tpu.memory_space<hbm>>
    tpu.enqueue_dma source(%dma_start3A_11 : memref<20000xi32, #tpu.memory_space<hbm>>) target(%arg13 : memref<20000xi32, #tpu.memory_space<vmem>>) target_semaphore(%arg19 : memref<!tpu.dma_semaphore, #tpu.memory_space<semaphore_mem>>)
    %dma_start3A_12 = tpu.memref_slice %arg6[%mul3A_2] : memref<320000xi32, #tpu.memory_space<hbm>> -> memref<20000xi32, #tpu.memory_space<hbm>>
    %dma_start3A_13 = tpu.memref_slice %arg6[%mul3A_2] : memref<320000xi32, #tpu.memory_space<hbm>> -> memref<20000xi32, #tpu.memory_space<hbm>>
    tpu.enqueue_dma source(%dma_start3A_13 : memref<20000xi32, #tpu.memory_space<hbm>>) target(%arg14 : memref<20000xi32, #tpu.memory_space<vmem>>) target_semaphore(%arg20 : memref<!tpu.dma_semaphore, #tpu.memory_space<semaphore_mem>>)
    %broadcast_in_dim3A = arith.constant 1.000000e+00 : f32
    %broadcast_in_dim3A_14 = vector.broadcast %broadcast_in_dim3A : f32 to vector<16xf32>
    %scan3A = arith.constant 0 : i32
    %scan3A_15 = arith.constant 0 : i32
    %scan3A_16 = arith.constant 1250 : i32
    %scan3A_17 = arith.addi %scan3A_15, %scan3A_16 : i32
    %scan3A_18 = arith.constant 1 : i32
    scf.for %scan3A_53 = %scan3A_15 to %scan3A_17 step %scan3A_18  : i32 {
      %mul3A_54 = arith.constant 16 : i32
      %mul3A_55 = arith.muli %scan3A_53, %mul3A_54 : i32
      %swap3A = arith.index_cast %mul3A_55 : i32 to index
      %swap3A_56 = tpu.vector_load %arg15[%swap3A] {strides = array<i32>} : memref<20000xf32, #tpu.memory_space<vmem>>, vector<16xf32>,
      %swap3A_57 = vector.shape_cast %swap3A_56 : vector<16xf32> to vector<16xf32>
      %swap3A_58 = vector.shape_cast %broadcast_in_dim3A_14 : vector<16xf32> to vector<16xf32>
      tpu.vector_store %arg15[%swap3A], %swap3A_58 {strides = array<i32>} : memref<20000xf32, #tpu.memory_space<vmem>>, vector<16xf32>,
    }
    %scan3A_19 = arith.constant 1250 : i32
    %dma_start3A_20 = tpu.memref_slice %arg9[%add3A_4] : memref<640000xf32, #tpu.memory_space<hbm>> -> memref<20000xf32, #tpu.memory_space<hbm>>
    %dma_start3A_21 = tpu.memref_slice %arg9[%add3A_4] : memref<640000xf32, #tpu.memory_space<hbm>> -> memref<20000xf32, #tpu.memory_space<hbm>>
    tpu.enqueue_dma source(%arg15 : memref<20000xf32, #tpu.memory_space<vmem>>) target(%dma_start3A_21 : memref<20000xf32, #tpu.memory_space<hbm>>) target_semaphore(%arg21 : memref<!tpu.dma_semaphore, #tpu.memory_space<semaphore_mem>>)
    %dma_wait3A = tpu.memref_slice %arg2[%mul3A_2] : memref<320000xi32, #tpu.memory_space<hbm>> -> memref<20000xi32, #tpu.memory_space<hbm>>
    %dma_wait3A_22 = tpu.memref_slice %arg2[%mul3A_2] : memref<320000xi32, #tpu.memory_space<hbm>> -> memref<20000xi32, #tpu.memory_space<hbm>>
    tpu.wait_dma2 semaphore(%arg16 : memref<!tpu.dma_semaphore, #tpu.memory_space<semaphore_mem>>) src(%dma_wait3A_22 : memref<20000xi32, #tpu.memory_space<hbm>>) dst(%arg10 : memref<20000xi32, #tpu.memory_space<vmem>>)
    %dma_start3A_23 = tpu.memref_slice %arg7[%mul3A_2] : memref<640000xi32, #tpu.memory_space<hbm>> -> memref<20000xi32, #tpu.memory_space<hbm>>
    %dma_start3A_24 = tpu.memref_slice %arg7[%mul3A_2] : memref<640000xi32, #tpu.memory_space<hbm>> -> memref<20000xi32, #tpu.memory_space<hbm>>
    tpu.enqueue_dma source(%arg10 : memref<20000xi32, #tpu.memory_space<vmem>>) target(%dma_start3A_24 : memref<20000xi32, #tpu.memory_space<hbm>>) target_semaphore(%arg22 : memref<!tpu.dma_semaphore, #tpu.memory_space<semaphore_mem>>)
    %dma_wait3A_25 = tpu.memref_slice %arg3[%mul3A_2] : memref<320000xi32, #tpu.memory_space<hbm>> -> memref<20000xi32, #tpu.memory_space<hbm>>
    %dma_wait3A_26 = tpu.memref_slice %arg3[%mul3A_2] : memref<320000xi32, #tpu.memory_space<hbm>> -> memref<20000xi32, #tpu.memory_space<hbm>>
    tpu.wait_dma2 semaphore(%arg17 : memref<!tpu.dma_semaphore, #tpu.memory_space<semaphore_mem>>) src(%dma_wait3A_26 : memref<20000xi32, #tpu.memory_space<hbm>>) dst(%arg11 : memref<20000xi32, #tpu.memory_space<vmem>>)
    %dma_start3A_27 = tpu.memref_slice %arg8[%mul3A_2] : memref<640000xi32, #tpu.memory_space<hbm>> -> memref<20000xi32, #tpu.memory_space<hbm>>
    %dma_start3A_28 = tpu.memref_slice %arg8[%mul3A_2] : memref<640000xi32, #tpu.memory_space<hbm>> -> memref<20000xi32, #tpu.memory_space<hbm>>
    tpu.enqueue_dma source(%arg11 : memref<20000xi32, #tpu.memory_space<vmem>>) target(%dma_start3A_28 : memref<20000xi32, #tpu.memory_space<hbm>>) target_semaphore(%arg23 : memref<!tpu.dma_semaphore, #tpu.memory_space<semaphore_mem>>)
    %dma_wait3A_29 = tpu.memref_slice %arg4[%mul3A_2] : memref<320000xf32, #tpu.memory_space<hbm>> -> memref<20000xf32, #tpu.memory_space<hbm>>
    %dma_wait3A_30 = tpu.memref_slice %arg4[%mul3A_2] : memref<320000xf32, #tpu.memory_space<hbm>> -> memref<20000xf32, #tpu.memory_space<hbm>>
    tpu.wait_dma2 semaphore(%arg18 : memref<!tpu.dma_semaphore, #tpu.memory_space<semaphore_mem>>) src(%dma_wait3A_30 : memref<20000xf32, #tpu.memory_space<hbm>>) dst(%arg12 : memref<20000xf32, #tpu.memory_space<vmem>>)
    %dma_start3A_31 = tpu.memref_slice %arg9[%mul3A_2] : memref<640000xf32, #tpu.memory_space<hbm>> -> memref<20000xf32, #tpu.memory_space<hbm>>
    %dma_start3A_32 = tpu.memref_slice %arg9[%mul3A_2] : memref<640000xf32, #tpu.memory_space<hbm>> -> memref<20000xf32, #tpu.memory_space<hbm>>
    tpu.enqueue_dma source(%arg12 : memref<20000xf32, #tpu.memory_space<vmem>>) target(%dma_start3A_32 : memref<20000xf32, #tpu.memory_space<hbm>>) target_semaphore(%arg24 : memref<!tpu.dma_semaphore, #tpu.memory_space<semaphore_mem>>)
    %dma_wait3A_33 = tpu.memref_slice %arg5[%mul3A_2] : memref<320000xi32, #tpu.memory_space<hbm>> -> memref<20000xi32, #tpu.memory_space<hbm>>
    %dma_wait3A_34 = tpu.memref_slice %arg5[%mul3A_2] : memref<320000xi32, #tpu.memory_space<hbm>> -> memref<20000xi32, #tpu.memory_space<hbm>>
    tpu.wait_dma2 semaphore(%arg19 : memref<!tpu.dma_semaphore, #tpu.memory_space<semaphore_mem>>) src(%dma_wait3A_34 : memref<20000xi32, #tpu.memory_space<hbm>>) dst(%arg13 : memref<20000xi32, #tpu.memory_space<vmem>>)
    %dma_start3A_35 = tpu.memref_slice %arg7[%add3A_4] : memref<640000xi32, #tpu.memory_space<hbm>> -> memref<20000xi32, #tpu.memory_space<hbm>>
    %dma_start3A_36 = tpu.memref_slice %arg7[%add3A_4] : memref<640000xi32, #tpu.memory_space<hbm>> -> memref<20000xi32, #tpu.memory_space<hbm>>
    tpu.enqueue_dma source(%arg13 : memref<20000xi32, #tpu.memory_space<vmem>>) target(%dma_start3A_36 : memref<20000xi32, #tpu.memory_space<hbm>>) target_semaphore(%arg25 : memref<!tpu.dma_semaphore, #tpu.memory_space<semaphore_mem>>)
    %dma_wait3A_37 = tpu.memref_slice %arg6[%mul3A_2] : memref<320000xi32, #tpu.memory_space<hbm>> -> memref<20000xi32, #tpu.memory_space<hbm>>
    %dma_wait3A_38 = tpu.memref_slice %arg6[%mul3A_2] : memref<320000xi32, #tpu.memory_space<hbm>> -> memref<20000xi32, #tpu.memory_space<hbm>>
    tpu.wait_dma2 semaphore(%arg20 : memref<!tpu.dma_semaphore, #tpu.memory_space<semaphore_mem>>) src(%dma_wait3A_38 : memref<20000xi32, #tpu.memory_space<hbm>>) dst(%arg14 : memref<20000xi32, #tpu.memory_space<vmem>>)
    %dma_start3A_39 = tpu.memref_slice %arg8[%add3A_4] : memref<640000xi32, #tpu.memory_space<hbm>> -> memref<20000xi32, #tpu.memory_space<hbm>>
    %dma_start3A_40 = tpu.memref_slice %arg8[%add3A_4] : memref<640000xi32, #tpu.memory_space<hbm>> -> memref<20000xi32, #tpu.memory_space<hbm>>
    tpu.enqueue_dma source(%arg14 : memref<20000xi32, #tpu.memory_space<vmem>>) target(%dma_start3A_40 : memref<20000xi32, #tpu.memory_space<hbm>>) target_semaphore(%arg26 : memref<!tpu.dma_semaphore, #tpu.memory_space<semaphore_mem>>)
    %dma_wait3A_41 = tpu.memref_slice %arg9[%add3A_4] : memref<640000xf32, #tpu.memory_space<hbm>> -> memref<20000xf32, #tpu.memory_space<hbm>>
    %dma_wait3A_42 = tpu.memref_slice %arg9[%add3A_4] : memref<640000xf32, #tpu.memory_space<hbm>> -> memref<20000xf32, #tpu.memory_space<hbm>>
    tpu.wait_dma2 semaphore(%arg21 : memref<!tpu.dma_semaphore, #tpu.memory_space<semaphore_mem>>) src(%arg15 : memref<20000xf32, #tpu.memory_space<vmem>>) dst(%dma_wait3A_42 : memref<20000xf32, #tpu.memory_space<hbm>>)
    %dma_wait3A_43 = tpu.memref_slice %arg7[%mul3A_2] : memref<640000xi32, #tpu.memory_space<hbm>> -> memref<20000xi32, #tpu.memory_space<hbm>>
    %dma_wait3A_44 = tpu.memref_slice %arg7[%mul3A_2] : memref<640000xi32, #tpu.memory_space<hbm>> -> memref<20000xi32, #tpu.memory_space<hbm>>
    tpu.wait_dma2 semaphore(%arg22 : memref<!tpu.dma_semaphore, #tpu.memory_space<semaphore_mem>>) src(%arg10 : memref<20000xi32, #tpu.memory_space<vmem>>) dst(%dma_wait3A_44 : memref<20000xi32, #tpu.memory_space<hbm>>)
    %dma_wait3A_45 = tpu.memref_slice %arg8[%mul3A_2] : memref<640000xi32, #tpu.memory_space<hbm>> -> memref<20000xi32, #tpu.memory_space<hbm>>
    %dma_wait3A_46 = tpu.memref_slice %arg8[%mul3A_2] : memref<640000xi32, #tpu.memory_space<hbm>> -> memref<20000xi32, #tpu.memory_space<hbm>>
    tpu.wait_dma2 semaphore(%arg23 : memref<!tpu.dma_semaphore, #tpu.memory_space<semaphore_mem>>) src(%arg11 : memref<20000xi32, #tpu.memory_space<vmem>>) dst(%dma_wait3A_46 : memref<20000xi32, #tpu.memory_space<hbm>>)
    %dma_wait3A_47 = tpu.memref_slice %arg9[%mul3A_2] : memref<640000xf32, #tpu.memory_space<hbm>> -> memref<20000xf32, #tpu.memory_space<hbm>>
    %dma_wait3A_48 = tpu.memref_slice %arg9[%mul3A_2] : memref<640000xf32, #tpu.memory_space<hbm>> -> memref<20000xf32, #tpu.memory_space<hbm>>
    tpu.wait_dma2 semaphore(%arg24 : memref<!tpu.dma_semaphore, #tpu.memory_space<semaphore_mem>>) src(%arg12 : memref<20000xf32, #tpu.memory_space<vmem>>) dst(%dma_wait3A_48 : memref<20000xf32, #tpu.memory_space<hbm>>)
    %dma_wait3A_49 = tpu.memref_slice %arg7[%add3A_4] : memref<640000xi32, #tpu.memory_space<hbm>> -> memref<20000xi32, #tpu.memory_space<hbm>>
    %dma_wait3A_50 = tpu.memref_slice %arg7[%add3A_4] : memref<640000xi32, #tpu.memory_space<hbm>> -> memref<20000xi32, #tpu.memory_space<hbm>>
    tpu.wait_dma2 semaphore(%arg25 : memref<!tpu.dma_semaphore, #tpu.memory_space<semaphore_mem>>) src(%arg13 : memref<20000xi32, #tpu.memory_space<vmem>>) dst(%dma_wait3A_50 : memref<20000xi32, #tpu.memory_space<hbm>>)
    %dma_wait3A_51 = tpu.memref_slice %arg8[%add3A_4] : memref<640000xi32, #tpu.memory_space<hbm>> -> memref<20000xi32, #tpu.memory_space<hbm>>
    %dma_wait3A_52 = tpu.memref_slice %arg8[%add3A_4] : memref<640000xi32, #tpu.memory_space<hbm>> -> memref<20000xi32, #tpu.memory_space<hbm>>
    tpu.wait_dma2 semaphore(%arg26 : memref<!tpu.dma_semaphore, #tpu.memory_space<semaphore_mem>>) src(%arg14 : memref<20000xi32, #tpu.memory_space<vmem>>) dst(%dma_wait3A_52 : memref<20000xi32, #tpu.memory_space<hbm>>)
    return
  }
}

</mosaic_0001>

<sc_bundles>
// kernel: _run.3.cloned.1.call-start
scs
__scs_entry_jumppad:
0x0: {  	(pc) =	sbr.rel $0x88, $3  }
0x1: {  	(tag) =	ssettag $0x0;
	lr =	simm.s32 $0x1  }
0x2: {  	[smem:$0x3F9C] =	sst lr;
	_ =	strace $0xD0000000  }
0x3: {  	_ = 	snop  }
0x4: {  	_ = 	snop  }
0x5: {  	_ = 	snop  }
0x6: {  	_ = 	snop  }
0x7: {  	_ = 	snop  }
__scs_overlays_trampoline_lowered:
0x8: {  	[smem:$0x3FAB] =	sst s0  }
0x9: {  	[smem:$0x3FAC] =	sst s1  }
0xa: {  	[smem:$0x3FAD] =	sst s2  }
0xb: {  	[smem:$0x3FAE] =	sst s3  }
0xc: {  	[smem:$0x3FAF] =	sst s4  }
0xd: {  	[smem:$0x3FB0] =	sst s5  }
0xe: {  	[smem:$0x3FB1] =	sst s6  }
0xf: {  	[smem:$0x3FB2] =	sst s7  }
0x10: {  	[smem:$0x3FB3] =	sst s8  }
0x11: {  	[smem:$0x3FB4] =	sst s9;
	s0 =	simm.s32 @!p0 $0x0  }
0x12: {  	s1 =	sld [smem:$0x3F9A];
	s0 =	simm.s32 @p0 $0x1  }
0x13: {  	[smem:$0x3FB5] =	sst s0;
	s0 =	simm.s32 @!p1 $0x0  }
0x14: {  	s2 =	sld [smem:$0x3F99];
	s0 =	simm.s32 @p1 $0x1  }
0x15: {  	[smem:$0x3FB6] =	sst s0;
	s0 =	simm.s32 @!p2 $0x0  }
0x16: {  	s3 =	sld [smem:$0x3FDB];
	s0 =	simm.s32 @p2 $0x1  }
0x17: {  	s4 =	simm.s32 $0x1BF5;
	[smem:$0x3FB8] =	sst s0  }
0x18: {  	s0 =	sld [smem:$0x3F9B];
	_ =	swait.ge [sflag:s4], $0x0  }
0x19: {  	s7 =	sld [smem:$0x3F9C]  }
0x1a: {  	s8 =	sadd.s32 $0xFFFFE003, lr  }
0x1b: {  	s9 =	sadd.s32 $0xFFFFFEF7, lr;
	s5 =	simm.s32 $0xFFFFFFFF;
	p2 =	slt.u32 s8, $0xFFFFF086  }
0x1c: {  	p1 =	slt.u32 s9, $0xF7A;
	s5 =	simm.s32 @!p2 $0x0  }
0x1d: {  	s5 =	simm.s32 @p1 $0x1;
	p0 =	seq.s32 s7, s2  }
0x1e: {  	s7 =	smul.u32 @!p0 $0xF7A, s2;
	p2 =	seq.s32 @!p0 s5, $0x0  }
0x1f: {  	s9 =	smul.u32 $0xF7A, s1;
	s8 =	simm.s32 @!p0 $0x1BF5;
	p2 =	por !p2, p0  }
0x20: {  	[sflag:s8] =	ssyncset.s32 @!p0 $0xFFFFF086;
	s6 =	sadd.s32 @!p0 s3, s7;
	s7 =	simm.s32 @!p0 $0x108  }
0x21: {  	s3 =	sadd.s32 s3, s9;
	s6 =	sadd.s32 @!p0 $0x88, s6;
	s7 =	simm.s32 @p2 $0x1082  }
0x22: {  	[simem:s7], [sflag:s8] =	dma.local @!p0 [hbm:s6], $0xF7A  }
0x23: {  	s9 =	sor.u32 $0xD0000000, s2;
	s6 =	simm.s32 $0x108;
	_ =	swait.ge @!p0 [sflag:s8], $0x0  }
0x24: {  	s3 =	sadd.s32 $0x88, s3;
	s6 =	simm.s32 @!p1 $0x1082;
	[sflag:s4] =	ssyncset.s32 $0xFFFFF086  }
0x25: {  	[simem:s6], [sflag:s4] =	dma.local [hbm:s3], $0xF7A  }
0x26: {  	[smem:$0x3F9C] =	sst s1;
	(tag) =	ssettag s2;
	_ =	strace s9  }
0x27: {  	s1 =	sld [smem:$0x3FAC]  }
0x28: {  	s2 =	sld [smem:$0x3FAD]  }
0x29: {  	s4 =	sld [smem:$0x3FAF]  }
0x2a: {  	p0 =	seq.s32 s5, $0x0;
	s5 =	sld [smem:$0x3FB0]  }
0x2b: {  	s6 =	sld [smem:$0x3FB1]  }
0x2c: {  	s7 =	sld [smem:$0x3FB2]  }
0x2d: {  	s3 =	simm.s32 $0x108;
	s8 =	sld [smem:$0x3FB3]  }
0x2e: {  	s3 =	simm.s32 @!p0 $0x1082;
	s9 =	sld [smem:$0x3FB4]  }
0x2f: {  	lr =	sadd.s32 s0, s3;
	s0 =	sld [smem:$0x3FAB]  }
0x30: {  	s3 =	sld [smem:$0x3FAE]  }
0x31: {  	[smem:$0x3FB7] =	sst s10  }
0x32: {  	s10 =	sld [smem:$0x3FB5];
	_ =	sdelay $0x3  }
0x33: {  	p0 =	seq.s32 s10, $0x1;
	s10 =	sld [smem:$0x3FB7];
	_ =	sdelay $0x3  }
0x34: {  	[smem:$0x3FB7] =	sst s10  }
0x35: {  	s10 =	sld [smem:$0x3FB6];
	_ =	sdelay $0x3  }
0x36: {  	p1 =	seq.s32 s10, $0x1;
	s10 =	sld [smem:$0x3FB7];
	_ =	sdelay $0x3  }
0x37: {  	[smem:$0x3FB7] =	sst s10  }
0x38: {  	s10 =	sld [smem:$0x3FB8]  }
0x39: {  	_ = 	snop;
	(pc) =	sbr.ind lr, $3  }
0x3a: {  	_ = 	snop  }
0x3b: {  	_ = 	snop  }
0x3c: {  	p2 =	seq.s32 s10, $0x1;
	s10 =	sld [smem:$0x3FB7]  }
0x3d: {  	_ =	shalt  }
0x3e: {  	_ =	shalt  }
0x3f: {  	_ =	shalt  }
0x40: {  	_ =	shalt  }
0x41: {  	_ =	shalt  }
0x42: {  	_ =	shalt  }
0x43: {  	_ =	shalt  }
0x44: {  	_ =	shalt  }
0x45: {  	_ =	shalt  }
0x46: {  	_ =	shalt  }
0x47: {  	_ =	shalt  }
0x48: {  	_ =	shalt  }
0x49: {  	_ =	shalt  }
0x4a: {  	_ =	shalt  }
0x4b: {  	_ =	shalt  }
0x4c: {  	_ =	shalt  }
0x4d: {  	_ =	shalt  }
0x4e: {  	_ =	shalt  }
0x4f: {  	_ =	shalt  }
0x50: {  	_ =	shalt  }
0x51: {  	_ =	shalt  }
0x52: {  	_ =	shalt  }
0x53: {  	_ =	shalt  }
0x54: {  	_ =	shalt  }
0x55: {  	_ =	shalt  }
0x56: {  	_ =	shalt  }
0x57: {  	_ =	shalt  }
0x58: {  	_ =	shalt  }
0x59: {  	_ =	shalt  }
0x5a: {  	_ =	shalt  }
0x5b: {  	_ =	shalt  }
0x5c: {  	_ =	shalt  }
0x5d: {  	_ =	shalt  }
0x5e: {  	_ =	shalt  }
0x5f: {  	_ =	shalt  }
0x60: {  	_ =	shalt  }
0x61: {  	_ =	shalt  }
0x62: {  	_ =	shalt  }
0x63: {  	_ =	shalt  }
0x64: {  	_ =	shalt  }
0x65: {  	_ =	shalt  }
0x66: {  	_ =	shalt  }
0x67: {  	_ =	shalt  }
0x68: {  	_ =	shalt  }
0x69: {  	_ =	shalt  }
0x6a: {  	_ =	shalt  }
0x6b: {  	_ =	shalt  }
0x6c: {  	_ =	shalt  }
0x6d: {  	_ =	shalt  }
0x6e: {  	_ =	shalt  }
0x6f: {  	_ =	shalt  }
0x70: {  	_ =	shalt  }
0x71: {  	_ =	shalt  }
0x72: {  	_ =	shalt  }
0x73: {  	_ =	shalt  }
0x74: {  	_ =	shalt  }
0x75: {  	_ =	shalt  }
0x76: {  	_ =	shalt  }
0x77: {  	_ =	shalt  }
0x78: {  	_ =	shalt  }
0x79: {  	_ =	shalt  }
0x7a: {  	_ =	shalt  }
0x7b: {  	_ =	shalt  }
0x7c: {  	_ =	shalt  }
0x7d: {  	_ =	shalt  }
0x7e: {  	_ =	shalt  }
0x7f: {  	_ =	shalt  }
0x80: {  	_ =	shalt  }
0x81: {  	_ =	shalt  }
0x82: {  	_ =	shalt  }
0x83: {  	_ =	shalt  }
0x84: {  	_ =	shalt  }
0x85: {  	_ =	shalt  }
0x86: {  	_ =	shalt  }
0x87: {  	_ =	shalt  }
.Lfunc_end0:
.L_simem_size_0:
called_computation_lowered:
.L_overlay_start_0:
0x88: {  	s0 =	sld [smem:$0x3FD9]  }
0x89: {  	s1 =	sld [smem:$0x3FFE];
	_ =	sdelay $0x3  }
0x8a: {  	s0 =	sadd.s32 s1, s0  }
0x8b: {  	[smem:$0x3FC3] =	sst s0  }
0x8c: {  	_ = 	snop  }
0x8d: {  	s0 =	sld [smem:$0x3FC9]  }
0x8e: {  	s14 =	sld [smem:$0x3FC8]  }
0x8f: {  	s2 =	sld [smem:$0x3FD0]  }
0x90: {  	s3 =	sld [smem:$0x3FC7]  }
0x91: {  	s4 =	sld [smem:$0x3FC6]  }
0x92: {  	s6 =	simm.s32 $0xA;
	s7 =	simm.s32 $0x10;
	s5 =	sld [smem:$0x3FC5]  }
0x93: {  	[smem:s7], [sflag:s6] =	dma.local [hbm:s2], $0x1  }
0x94: {  	_ =	swait.eq [sflag:s6], $0x1  }
0x95: {  	s15 =	sld [smem:$0x10];
	[sflag:s6] =	ssyncset.done $0x0  }
0x96: {  	s16 =	sld [smem:$0x11];
	[sflag:s6] =	ssyncadd.s32 $0xFFFFFFFF  }
0x97: {  	s17 =	sld [smem:$0x12];
	(tm) =	ssettm $0x1  }
0x98: {  	s8 =	sld [smem:$0x3FFB];
	_ =	sdelay $0x3  }
0x99: {  	_ =	strace s8  }
0x9a: {  	s8 =	sld [smem:$0x3FFC];
	_ =	sdelay $0x3  }
0x9b: {  	_ =	strace s8  }
0x9c: {  	s8 =	sld [smem:$0x3FFD];
	_ =	sdelay $0x3  }
0x9d: {  	_ =	strace s8  }
0x9e: {  	_ =	strace $0x8FFFFFFF  }
0x9f: {  	s18 =	sld [smem:$0x3FDB];
	_ =	sdelay $0x1  }
0xa0: {  	s9 =	simm.s32 $_scs_section_size  }
0xa1: {  	s10 =	simm.s32 $_size__tile_overlayer_lowered;
	s11 =	simm.s32 $_tile_overlayer_lowered  }
0xa2: {  	s21 =	simm.s32 $0x1BFF;
	s20 =	sshll.u32 s11, $0x1;
	s8 =	sadd.s32 s9, s18  }
0xa3: {  	s12 =	simm.s32 $0x0;
	s19 =	sshll.u32 s10, $0x1;
	s10 =	sadd.s32 s20, s8  }
0xa4: {  	[timem:s12], [sflag:s21] =	dma.local [hbm:s10], s19  }
0xa5: {  	_ =	swait.ge [sflag:s21], s19  }
0xa6: {  	s9 =	ssub.s32 $0x0, s19;
	[sflag:s21] =	ssyncset.done $0x0  }
0xa7: {  	[sflag:s21] =	ssyncadd.s32 s9;
	_ =	sdelay $0x1  }
0xa8: {  	s22 =	simm.s32 $0x1B8B  }
0xa9: {  	_ =	swait.ge [sflag:s22], $0x1  }
0xaa: {  	[sflag:s22] =	ssyncset.done $0x0  }
0xab: {  	s23 =	simm.s32 $0x1B8E;
	[sflag:s22] =	ssyncadd.s32 $0xFFFFFFFF  }
0xac: {  	s24 =	simm.s32 $execute0_lowered;
	[smem:$0x3FD2] =	sst s23  }
0xad: {  	s9 =	sshll.u32 s24, $0x1;
	_ =	strace $0x80000046;
	[dreg:$0x1] =	wrdreg $0xFFFFFFFF  }
0xae: {  	s25 =	simm.s32 $_size_execute0_lowered;
	s8 =	sadd.s32 s8, s9;
	[dreg:$0x0] =	wrdreg $0x0  }
0xaf: {  	s9 =	sshll.u32 s25, $0x1;
	[dreg:$0x2] =	wrdreg s8  }
0xb0: {  	[dreg:$0x3] =	wrdreg s9  }
0xb1: {  	[dreg:$0x4] =	wrdreg $0xC0  }
0xb2: {  	_ =	task [dreg:s12], $0x5FFFF  }
0xb3: {  	[dreg:$0x1] =	wrdreg $0xFFFFFFFF  }
0xb4: {  	[dreg:$0x0] =	wrdreg $0x60  }
0xb5: {  	[dreg:$0x2] =	wrdreg s0  }
0xb6: {  	[dreg:$0x3] =	wrdreg s14  }
0xb7: {  	[dreg:$0x4] =	wrdreg s3  }
0xb8: {  	[dreg:$0x5] =	wrdreg s4  }
0xb9: {  	[dreg:$0x6] =	wrdreg s5  }
0xba: {  	[dreg:$0x7] =	wrdreg s15  }
0xbb: {  	[dreg:$0x8] =	wrdreg s16  }
0xbc: {  	[dreg:$0x9] =	wrdreg s17  }
0xbd: {  	[dreg:$0xa] =	wrdreg $0x9  }
0xbe: {  	_ =	task.clear_ibuf [dreg:s12], $0xBFFFF;
	_ =	strace $0x90000046  }
0xbf: {  	s26 =	simm.s32 $0x9;
	_ =	strace $0x80000048  }
0xc0: {  	_ =	swait.ge [sflag:s26], $0x1  }
0xc1: {  	[sflag:s26] =	ssyncadd.s32 $0xFFFFFFFF  }
0xc2: {  	_ =	strace $0x90000048  }
0xc3: {  	_ =	sfence  }
0xc4: {  	s28 =	sld [smem:$0x0];
	_ =	sdelay $0x1  }
0xc5: {  	s29 =	srdreg.scid  }
0xc6: {  	s30 =	sshll.u32 s29, $0xD;
	s31 =	sshrl.u32 s29, $0x2  }
0xc7: {  	s1 =	sand.u32 $0x1, s29;
	s2 =	sand.u32 $0x4000, s30;
	s0 =	sadd.s32 s31, s28  }
0xc8: {  	s1 =	sor.u32 s2, s1;
	s0 =	sshll.u32 s0, $0x11  }
0xc9: {  	s0 =	sor.u32 s0, s1  }
0xca: {  	s0 =	sadd.s32 $0x8F2B, s0  }
0xcb: {  	[sflag:s0] =	ssyncadd.remote.s32 $0x1  }
0xcc: {  	_ =	sfence.sel $0xFFFF  }
0xcd: {  	[dreg:$0x0] =	wrdreg $0xFFFFFFFF;
	(pc) =	sbr.abs _section_cstart, $3  }
0xce: {  	[dreg:$0x1] =	wrdreg $0xFFFFFFFF  }
0xcf: {  	_ =	task.clear_ibuf [dreg:s12], $0x2FFFF;
	_ =	strace $0x9FFFFFFF  }
0xd0: {  	(tm) =	ssettm $0x7FFFFFFF  }
0xd1: {  	_ =	shalt  }
tec
execute0_lowered:
.L_overlay_start_1:
0x0: {  	(tag) =	ssettag $0x1  }
0x1: {  	s6 =	rddreg [dreg:$0x0]  }
0x2: {  	s7 =	rddreg [dreg:$0x1]  }
0x3: {  	s8 =	rddreg [dreg:$0x2]  }
0x4: {  	s9 =	rddreg [dreg:$0x3]  }
0x5: {  	s10 =	rddreg [dreg:$0x4]  }
0x6: {  	s3 =	rddreg [dreg:$0x5];
	s0 =	stileid.u32  }
0x7: {  	s2 =	rddreg [dreg:$0x6];
	s5 =	smul.u32 $0x4E20, s0  }
0x8: {  	s4 =	rddreg [dreg:$0x7];
	s11 =	simm.s32 $0x0  }
0x9: {  	[smem:$0x7FF] =	sst s11;
	s5 =	sshrl.u32 s5, $0x3  }
0xa: {  	s1 =	rddreg [dreg:$0x8];
	_ =	strace $0x80000047;
	s6 =	sadd.s32 s6, s5  }
0xb: {  	[tilespmem:s11], [sflag:$0x1] =	stream.linear.gather [hbm4b:s6+s11], $0x4E20, $0x38;
	[tilespmem:$0x1D700] =	vst v63  }
0xc: {  	s24 =	simm.s32 $0x4E80;
	s26 =	simm.s32 $0x9D00;
	s23 =	sadd.s32 s7, s5  }
0xd: {  	[tilespmem:s24], [sflag:$0x2] =	stream.linear.gather [hbm4b:s23+s11], $0x4E20, $0x38;
	[tilespmem:$0x1D700] =	vst v63  }
0xe: {  	s29 =	simm.s32 $0xEB80;
	s31 =	simm.s32 $0x13A00;
	s25 =	sadd.s32 s8, s5  }
0xf: {  	[tilespmem:s26], [sflag:$0x3] =	stream.linear.gather [hbm4b:s25+s11], $0x4E20, $0x38;
	[tilespmem:$0x1D700] =	vst v63  }
0x10: {  	s28 =	sadd.s32 s9, s5;
	s30 =	sadd.s32 s10, s5;
	s6 =	sadd.s32 $0x9C40, s5  }
0x11: {  	[tilespmem:s29], [sflag:$0x4] =	stream.linear.gather [hbm4b:s28+s11], $0x4E20, $0x38;
	[tilespmem:$0x1D700] =	vst v63  }
0x12: {  	s8 =	simm.s32 $0x40;
	s9 =	simm.s32 $0x0;
	s7 =	sadd.s32 s4, s6  }
0x13: {  	v0 =	vimm.f32 $1.000000000e+00;
	[tilespmem:s31], [sflag:$0x5] =	stream.linear.gather [hbm4b:s30+s11], $0x4E20, $0x38;
	[tilespmem:$0x1D700] =	vst v63  }
.LBB2_1:
0x14: {  	p0 =	sne.s32 s8, $0x13840;
	[tilespmem:s9+$0x18880] =	vst v0;
	s9 =	smov.u32 s8;
	s8 =	sadd.s32 $0x40, s8  }
.Ltmp0:
0x15: {  	(pc) =	sbr.rel @p0 .LBB2_1-.Ltmp0, $2  }
0x16: {  	_ =	sdelay $0x2  }
0x17: {  	s9 =	sshra.s32 s9, $0x2  }
0x18: {  	[tilespmem:s9+$0x18880] =	vst v0;
	s8 =	simm.s32 $0x0;
	s11 =	simm.s32 $0x18880;
	s12 =	simm.s32 $0x1  }
0x19: {  	[hbm4b:s7+s8] =	stream.linear.scatter [tilespmem:s11], [sflag:$0x6], $0x4E20, $0x38;
	[tilespmem:$0x1D700] =	vst v63  }
0x1a: {  	_ =	swait.ge [sflag:s12], $0x4E20  }
0x1b: {  	[sflag:s12] =	ssyncset.done $0x0  }
0x1c: {  	s13 =	sadd.s32 s3, s5;
	s14 =	simm.s32 $0x2;
	[sflag:s12] =	ssyncadd.s32 $0xFFFFB1E0  }
0x1d: {  	[hbm4b:s13+s8] =	stream.linear.scatter [tilespmem:s8], [sflag:$0x7], $0x4E20, $0x38;
	[tilespmem:$0x1D700] =	vst v63  }
0x1e: {  	_ =	swait.ge [sflag:s14], $0x4E20  }
0x1f: {  	s15 =	sadd.s32 s2, s5;
	[sflag:s14] =	ssyncset.done $0x0  }
0x20: {  	s16 =	simm.s32 $0x4E80;
	s17 =	simm.s32 $0x3;
	[sflag:s14] =	ssyncadd.s32 $0xFFFFB1E0  }
0x21: {  	[hbm4b:s15+s8] =	stream.linear.scatter [tilespmem:s16], [sflag:$0x8], $0x4E20, $0x38;
	[tilespmem:$0x1D700] =	vst v63  }
0x22: {  	_ =	swait.ge [sflag:s17], $0x4E20  }
0x23: {  	s4 =	sadd.s32 s4, s5;
	[sflag:s17] =	ssyncset.done $0x0  }
0x24: {  	s18 =	simm.s32 $0x9D00;
	s19 =	simm.s32 $0x4;
	[sflag:s17] =	ssyncadd.s32 $0xFFFFB1E0  }
0x25: {  	[hbm4b:s4+s8] =	stream.linear.scatter [tilespmem:s18], [sflag:$0x9], $0x4E20, $0x38;
	[tilespmem:$0x1D700] =	vst v63  }
0x26: {  	_ =	swait.ge [sflag:s19], $0x4E20  }
0x27: {  	s20 =	sadd.s32 s3, s6;
	[sflag:s19] =	ssyncset.done $0x0  }
0x28: {  	s21 =	simm.s32 $0xEB80;
	s22 =	simm.s32 $0x5;
	[sflag:s19] =	ssyncadd.s32 $0xFFFFB1E0  }
0x29: {  	[hbm4b:s20+s8] =	stream.linear.scatter [tilespmem:s21], [sflag:$0xA], $0x4E20, $0x38;
	[tilespmem:$0x1D700] =	vst v63  }
0x2a: {  	_ =	swait.ge [sflag:s22], $0x4E20  }
0x2b: {  	s23 =	sadd.s32 s2, s6;
	[sflag:s22] =	ssyncset.done $0x0  }
0x2c: {  	s24 =	simm.s32 $0x13A00;
	s25 =	simm.s32 $0x6;
	[sflag:s22] =	ssyncadd.s32 $0xFFFFB1E0  }
0x2d: {  	[hbm4b:s23+s8] =	stream.linear.scatter [tilespmem:s24], [sflag:$0xB], $0x4E20, $0x38;
	[tilespmem:$0x1D700] =	vst v63  }
0x2e: {  	_ =	swait.ge [sflag:s25], $0x4E20  }
0x2f: {  	[sflag:s25] =	ssyncset.done $0x0  }
0x30: {  	s26 =	simm.s32 $0x7;
	[sflag:s25] =	ssyncadd.s32 $0xFFFFB1E0  }
0x31: {  	_ =	swait.ge [sflag:s26], $0x4E20  }
0x32: {  	[sflag:s26] =	ssyncset.done $0x0  }
0x33: {  	s28 =	simm.s32 $0x8;
	[sflag:s26] =	ssyncadd.s32 $0xFFFFB1E0  }
0x34: {  	_ =	swait.ge [sflag:s28], $0x4E20  }
0x35: {  	[sflag:s28] =	ssyncset.done $0x0  }
0x36: {  	s29 =	simm.s32 $0x9;
	[sflag:s28] =	ssyncadd.s32 $0xFFFFB1E0  }
0x37: {  	_ =	swait.ge [sflag:s29], $0x4E20  }
0x38: {  	[sflag:s29] =	ssyncset.done $0x0  }
0x39: {  	s30 =	simm.s32 $0xA;
	[sflag:s29] =	ssyncadd.s32 $0xFFFFB1E0  }
0x3a: {  	_ =	swait.ge [sflag:s30], $0x4E20  }
0x3b: {  	[sflag:s30] =	ssyncset.done $0x0  }
0x3c: {  	s31 =	simm.s32 $0xB;
	[sflag:s30] =	ssyncadd.s32 $0xFFFFB1E0  }
0x3d: {  	_ =	swait.ge [sflag:s31], $0x4E20  }
0x3e: {  	[sflag:s31] =	ssyncset.done $0x0  }
0x3f: {  	[sflag:s31] =	ssyncadd.s32 $0xFFFFB1E0  }
0x40: {  	_ =	sfence.sel $0x180000  }
0x41: {  	[bflag:$0x0] =	sbarrier.arrive $0xFFFF  }
0x42: {  	p0 =	sne.s32 s0, $0x0;
	_ =	strace $0x90000047  }
0x43: {  	s0 =	sadd.s32 @!p0 $0x100000, s1;
	[bflag:$0x2] =	sbarrier.arrive $0xFFFF  }
0x44: {  	[sflag:s0] =	ssyncadd.tile.s32 @!p0 $0x1;
	_ =	shalt  }
.Lfunc_end2:
_tile_overlayer_lowered:
.L_overlay_start_2:
0x45: {  	(tag) =	ssettag $0x2  }
0x46: {  	s0 =	rddreg [dreg:$0x0];
	s2 =	stileid.u32  }
0x47: {  	s1 =	rddreg [dreg:$0x1];
	p0 =	sne.s32 s2, $0x0  }
0x48: {  	s3 =	rddreg [dreg:$0x2];
	[bflag:$0x3] =	sbarrier.arrive $0xFFFF;
	s2 =	simm.s32 @!p0 $0x1C0C  }
0x49: {  	[timem:s3], [sflag:s2] =	dma.local @!p0 [hbm:s0], s1  }
0x4a: {  	s0 =	simm.s32 @!p0 $0xC  }
0x4b: {  	_ =	swait.ge @!p0 [sflag:s0], s1  }
0x4c: {  	s1 =	ssub.s32 @!p0 $0x0, s1;
	[sflag:s0] =	ssyncset.done @!p0 $0x0  }
0x4d: {  	[sflag:s0] =	ssyncadd.s32 @!p0 s1  }
0x4e: {  	[bflag:$0x3] =	sbarrier.arrive $0xFFFF  }
0x4f: {  	_ =	shalt  }

</sc_bundles>
